<compile_context>
chip_gen: v7x
topology: tpu7x:2x2x1
jax: 0.10.2.dev20260603
libtpu: 0.0.44.dev20260713+nightly
codegen_flags: <defaults>
</compile_context>

<pallas_src>
import functools

import jax
import jax.numpy as jnp
from jax import lax
from jax.experimental import pallas as pl
from jax.experimental.pallas import tpu as pltpu
from jax.experimental.pallas import tpu_sc as plsc
from jax.experimental.compute_on import compute_on

_REASON_TOKEN_ID = 1000
_B, _T = 4, 4096
_L = 16
_NC = 2
_MESH_CORES = 1


@functools.partial(
    pl.kernel,
    mesh=plsc.VectorSubcoreMesh(core_axis_name="c", subcore_axis_name="s",
                                num_cores=_MESH_CORES),
    out_type=jax.ShapeDtypeStruct((_B, _L), jnp.int32),
    scratch_types=[
        pltpu.VMEM((_T,), jnp.int32),
        pltpu.VMEM((_L,), jnp.int32),
    ],
)
def _sc_route_mask(ids_hbm, out_hbm, row_v, flag_v):
    wid = lax.axis_index("s") * _MESH_CORES + lax.axis_index("c")

    @pl.when(wid < _B)
    def _():
        pltpu.sync_copy(ids_hbm.at[wid], row_v)

        _UNROLL = 4

        def body(i, acc):
            base = i * (_UNROLL * _L)
            for k in range(_UNROLL):
                v = row_v[pl.ds(base + k * _L, _L)]
                hit = jnp.where(v == _REASON_TOKEN_ID,
                                jnp.full((_L,), 1, jnp.int32),
                                jnp.full((_L,), 0, jnp.int32))
                acc = acc | hit
            return acc

        acc = lax.fori_loop(0, _T // (_UNROLL * _L), body,
                            jnp.full((_L,), 0, jnp.int32))
        for shift in (1, 2, 4, 8):
            perm = (lax.iota(jnp.int32, _L) + shift) & (_L - 1)
            acc = acc | acc.at[perm].get(mode="promise_in_bounds")
        flag_v[...] = acc
        pltpu.sync_copy(flag_v, out_hbm.at[wid])


_BLOCK_ROWS = 1024


def _copy_block(hs_ref, out_ref):
    out_ref[...] = hs_ref[...]


def _copy_hbm(hs2d):
    rows, cols = hs2d.shape
    return pl.pallas_call(
        _copy_block,
        grid=(rows // _BLOCK_ROWS,),
        in_specs=[pl.BlockSpec((_BLOCK_ROWS, cols), lambda i: (i, 0))],
        out_specs=pl.BlockSpec((_BLOCK_ROWS, cols), lambda i: (i, 0)),
        out_shape=jax.ShapeDtypeStruct(hs2d.shape, hs2d.dtype),
    )(hs2d)


def kernel(input_ids, hidden_states):
    b, t, d = hidden_states.shape
    with compute_on("tpu_sparsecore"):
        flags = _sc_route_mask(input_ids.astype(jnp.int32))
    out = _copy_hbm(hidden_states.reshape(b * t, d)).reshape(b, t, d)
    route_mask = flags[:, 0] > 0
    return (out, route_mask)

# --- scband reference (transcript-rebuilt; emitter-appended) ---
"""Pipeline reference for scband-reasoning-router-74586402063084 (READ-ONLY COPY).

The authoritative reference and input builder live on the scoring server;
editing this copy changes nothing except your own understanding.
"""

import jax, jax.numpy as jnp
import numpy as np

REASON_TOKEN_ID = 1000


def setup_inputs(seed: int = 0) -> dict:
    key = jax.random.key(seed)
    k1, k2 = jax.random.split(key)
    input_ids = jax.random.randint(k1, (4, 4096), 0, 32000, dtype=jnp.int64) if jax.config.jax_enable_x64 else jax.random.randint(k1, (4, 4096), 0, 32000, dtype=jnp.int32)
    hidden_states = jax.random.normal(k2, (4, 4096, 2048), dtype=jnp.float32)
    return {"input_ids": input_ids, "hidden_states": hidden_states}


def reference(input_ids, hidden_states):
    # compute_routing_mask: sequence-level routing decision
    route_mask = jnp.any(input_ids == REASON_TOKEN_ID, axis=-1)
    # hrm_forward_fn and direct_head_fn are None in this configuration, so
    # every branch of the torch forward returns hidden_states unchanged
    # (the mixed-batch branch clones then never overwrites since both fns are None).
    output = hidden_states
    return (output, route_mask)

if __name__ == "__main__":
    import jax
    _d = setup_inputs()
    print(jax.jit(kernel)(*tuple(_d.values())))

</pallas_src>

<mosaic_0001>
#map = affine_map<(d0, d1) -> (0, 0)>
module attributes {stable_mosaic.version = 14 : i64} {
  func.func @_sc_route_mask(%arg0: i32, %arg1: i32, %arg2: memref<4x4096xi32, #tpu.memory_space<hbm>>, %arg3: memref<4x16xi32, #tpu.memory_space<hbm>>, %arg4: memref<4096xi32, #tpu.memory_space<vmem>>, %arg5: memref<16xi32, #tpu.memory_space<vmem>>) attributes {dimension_semantics = [#tpu.dimension_semantics<core_parallel>, #tpu.dimension_semantics<subcore_parallel>], iteration_bounds = array<i64: 1, 16>, scalar_prefetch = 0 : i64, scratch_operands = 2 : i64, tpu.core_type = #tpu.core_type<sc_vector_subcore>, window_params = [{transform_indices = #map}, {transform_indices = #map}]} {
    %mul3A = arith.constant 1 : i32
    %mul3A_0 = arith.muli %arg1, %mul3A : i32
    %add3A = arith.addi %mul3A_0, %arg0 : i32
    %lt3A = arith.constant 4 : i32
    %lt3A_1 = arith.cmpi slt, %add3A, %lt3A : i32
    %convert_element_type3A = arith.extui %lt3A_1 : i1 to i32
    %cond3A = arith.constant 0 : i32
    %cond3A_2 = arith.cmpi ne, %convert_element_type3A, %cond3A : i32
    scf.if %cond3A_2 {
      "tpu.region"() ({
        %run_scoped3A = tpu.sem_alloc : memref<!tpu.dma_semaphore, #tpu.memory_space<semaphore_mem>>
        %dma_start3A = arith.constant 0 : i32
        %dma_start3A_79 = tpu.memref_slice %arg2[%add3A, %dma_start3A] : memref<4x4096xi32, #tpu.memory_space<hbm>> -> memref<1x4096xi32, #tpu.memory_space<hbm>>
        %dma_start3A_80 = tpu.memref_squeeze %dma_start3A_79 : memref<1x4096xi32, #tpu.memory_space<hbm>> -> memref<4096xi32, #tpu.memory_space<hbm>>
        %dma_start3A_81 = arith.constant 0 : i32
        %dma_start3A_82 = tpu.memref_slice %arg2[%add3A, %dma_start3A_81] : memref<4x4096xi32, #tpu.memory_space<hbm>> -> memref<1x4096xi32, #tpu.memory_space<hbm>>
        %dma_start3A_83 = tpu.memref_squeeze %dma_start3A_82 : memref<1x4096xi32, #tpu.memory_space<hbm>> -> memref<4096xi32, #tpu.memory_space<hbm>>
        tpu.enqueue_dma source(%dma_start3A_83 : memref<4096xi32, #tpu.memory_space<hbm>>) target(%arg4 : memref<4096xi32, #tpu.memory_space<vmem>>) target_semaphore(%run_scoped3A : memref<!tpu.dma_semaphore, #tpu.memory_space<semaphore_mem>>)
        %dma_wait3A = arith.constant 0 : i32
        %dma_wait3A_84 = tpu.memref_slice %arg2[%add3A, %dma_wait3A] : memref<4x4096xi32, #tpu.memory_space<hbm>> -> memref<1x4096xi32, #tpu.memory_space<hbm>>
        %dma_wait3A_85 = tpu.memref_squeeze %dma_wait3A_84 : memref<1x4096xi32, #tpu.memory_space<hbm>> -> memref<4096xi32, #tpu.memory_space<hbm>>
        %dma_wait3A_86 = arith.constant 0 : i32
        %dma_wait3A_87 = tpu.memref_slice %arg2[%add3A, %dma_wait3A_86] : memref<4x4096xi32, #tpu.memory_space<hbm>> -> memref<1x4096xi32, #tpu.memory_space<hbm>>
        %dma_wait3A_88 = tpu.memref_squeeze %dma_wait3A_87 : memref<1x4096xi32, #tpu.memory_space<hbm>> -> memref<4096xi32, #tpu.memory_space<hbm>>
        tpu.wait_dma2 semaphore(%run_scoped3A : memref<!tpu.dma_semaphore, #tpu.memory_space<semaphore_mem>>) src(%dma_wait3A_88 : memref<4096xi32, #tpu.memory_space<hbm>>) dst(%arg4 : memref<4096xi32, #tpu.memory_space<vmem>>)
        tpu.yield
      }) : () -> ()
      %broadcast_in_dim3A = arith.constant 0 : i32
      %broadcast_in_dim3A_3 = vector.broadcast %broadcast_in_dim3A : i32 to vector<16xi32>
      %scan3A = arith.constant 0 : i32
      %scan3A_4 = arith.constant 64 : i32
      %scan3A_5 = arith.addi %scan3A, %scan3A_4 : i32
      %scan3A_6 = arith.constant 1 : i32
      %scan3A_7 = scf.for %scan3A_79 = %scan3A to %scan3A_5 step %scan3A_6 iter_args(%scan3A_80 = %broadcast_in_dim3A_3) -> (vector<16xi32>)  : i32 {
        %mul3A_81 = arith.constant 64 : i32
        %mul3A_82 = arith.muli %scan3A_79, %mul3A_81 : i32
        %add3A_83 = arith.constant 0 : i32
        %add3A_84 = arith.addi %mul3A_82, %add3A_83 : i32
        %get3A = arith.index_cast %add3A_84 : i32 to index
        %get3A_85 = tpu.vector_load %arg4[%get3A] {strides = array<i32>} : memref<4096xi32, #tpu.memory_space<vmem>>, vector<16xi32>,
        %get3A_86 = vector.shape_cast %get3A_85 : vector<16xi32> to vector<16xi32>
        %eq3A = arith.constant 1000 : i32
        %eq3A_87 = vector.broadcast %eq3A : i32 to vector<16xi32>
        %eq3A_88 = arith.cmpi eq, %get3A_86, %eq3A_87 : vector<16xi32>
        %broadcast_in_dim3A_89 = arith.constant 1 : i32
        %broadcast_in_dim3A_90 = vector.broadcast %broadcast_in_dim3A_89 : i32 to vector<16xi32>
        %broadcast_in_dim3A_91 = arith.constant 0 : i32
        %broadcast_in_dim3A_92 = vector.broadcast %broadcast_in_dim3A_91 : i32 to vector<16xi32>
        %select_n3A_93 = arith.select %eq3A_88, %broadcast_in_dim3A_90, %broadcast_in_dim3A_92 : vector<16xi1>, vector<16xi32>
        %or3A_94 = arith.ori %scan3A_80, %select_n3A_93 : vector<16xi32>
        %add3A_95 = arith.constant 16 : i32
        %add3A_96 = arith.addi %mul3A_82, %add3A_95 : i32
        %get3A_97 = arith.index_cast %add3A_96 : i32 to index
        %get3A_98 = tpu.vector_load %arg4[%get3A_97] {strides = array<i32>} : memref<4096xi32, #tpu.memory_space<vmem>>, vector<16xi32>,
        %get3A_99 = vector.shape_cast %get3A_98 : vector<16xi32> to vector<16xi32>
        %eq3A_100 = arith.constant 1000 : i32
        %eq3A_101 = vector.broadcast %eq3A_100 : i32 to vector<16xi32>
        %eq3A_102 = arith.cmpi eq, %get3A_99, %eq3A_101 : vector<16xi32>
        %broadcast_in_dim3A_103 = arith.constant 1 : i32
        %broadcast_in_dim3A_104 = vector.broadcast %broadcast_in_dim3A_103 : i32 to vector<16xi32>
        %broadcast_in_dim3A_105 = arith.constant 0 : i32
        %broadcast_in_dim3A_106 = vector.broadcast %broadcast_in_dim3A_105 : i32 to vector<16xi32>
        %select_n3A_107 = arith.select %eq3A_102, %broadcast_in_dim3A_104, %broadcast_in_dim3A_106 : vector<16xi1>, vector<16xi32>
        %or3A_108 = arith.ori %or3A_94, %select_n3A_107 : vector<16xi32>
        %add3A_109 = arith.constant 32 : i32
        %add3A_110 = arith.addi %mul3A_82, %add3A_109 : i32
        %get3A_111 = arith.index_cast %add3A_110 : i32 to index
        %get3A_112 = tpu.vector_load %arg4[%get3A_111] {strides = array<i32>} : memref<4096xi32, #tpu.memory_space<vmem>>, vector<16xi32>,
        %get3A_113 = vector.shape_cast %get3A_112 : vector<16xi32> to vector<16xi32>
        %eq3A_114 = arith.constant 1000 : i32
        %eq3A_115 = vector.broadcast %eq3A_114 : i32 to vector<16xi32>
        %eq3A_116 = arith.cmpi eq, %get3A_113, %eq3A_115 : vector<16xi32>
        %broadcast_in_dim3A_117 = arith.constant 1 : i32
        %broadcast_in_dim3A_118 = vector.broadcast %broadcast_in_dim3A_117 : i32 to vector<16xi32>
        %broadcast_in_dim3A_119 = arith.constant 0 : i32
        %broadcast_in_dim3A_120 = vector.broadcast %broadcast_in_dim3A_119 : i32 to vector<16xi32>
        %select_n3A_121 = arith.select %eq3A_116, %broadcast_in_dim3A_118, %broadcast_in_dim3A_120 : vector<16xi1>, vector<16xi32>
        %or3A_122 = arith.ori %or3A_108, %select_n3A_121 : vector<16xi32>
        %add3A_123 = arith.constant 48 : i32
        %add3A_124 = arith.addi %mul3A_82, %add3A_123 : i32
        %get3A_125 = arith.index_cast %add3A_124 : i32 to index
        %get3A_126 = tpu.vector_load %arg4[%get3A_125] {strides = array<i32>} : memref<4096xi32, #tpu.memory_space<vmem>>, vector<16xi32>,
        %get3A_127 = vector.shape_cast %get3A_126 : vector<16xi32> to vector<16xi32>
        %eq3A_128 = arith.constant 1000 : i32
        %eq3A_129 = vector.broadcast %eq3A_128 : i32 to vector<16xi32>
        %eq3A_130 = arith.cmpi eq, %get3A_127, %eq3A_129 : vector<16xi32>
        %broadcast_in_dim3A_131 = arith.constant 1 : i32
        %broadcast_in_dim3A_132 = vector.broadcast %broadcast_in_dim3A_131 : i32 to vector<16xi32>
        %broadcast_in_dim3A_133 = arith.constant 0 : i32
        %broadcast_in_dim3A_134 = vector.broadcast %broadcast_in_dim3A_133 : i32 to vector<16xi32>
        %select_n3A_135 = arith.select %eq3A_130, %broadcast_in_dim3A_132, %broadcast_in_dim3A_134 : vector<16xi1>, vector<16xi32>
        %or3A_136 = arith.ori %or3A_122, %select_n3A_135 : vector<16xi32>
        scf.yield %or3A_136 : vector<16xi32>
      }
      %scan3A_8 = arith.constant 64 : i32
      %iota3A = tpu.iota {dimensions = array<i32: 0>} : vector<16xi32>
      %add3A_9 = arith.constant 1 : i32
      %add3A_10 = vector.broadcast %add3A_9 : i32 to vector<16xi32>
      %add3A_11 = arith.addi %iota3A, %add3A_10 : vector<16xi32>
      %and3A = arith.constant 15 : i32
      %and3A_12 = vector.broadcast %and3A : i32 to vector<16xi32>
      %and3A_13 = arith.andi %add3A_11, %and3A_12 : vector<16xi32>
      %lt3A_14 = arith.constant 0 : i32
      %lt3A_15 = vector.broadcast %lt3A_14 : i32 to vector<16xi32>
      %lt3A_16 = arith.cmpi slt, %and3A_13, %lt3A_15 : vector<16xi32>
      %add3A_17 = arith.constant 16 : i32
      %add3A_18 = vector.broadcast %add3A_17 : i32 to vector<16xi32>
      %add3A_19 = arith.addi %and3A_13, %add3A_18 : vector<16xi32>
      %select_n3A = arith.select %lt3A_16, %add3A_19, %and3A_13 : vector<16xi1>, vector<16xi32>
      %broadcast_in_dim3A_20 = vector.shape_cast %select_n3A : vector<16xi32> to vector<16x1xi32>
      %gather3A = vector.shape_cast %broadcast_in_dim3A_20 : vector<16x1xi32> to vector<16xi32>
      %gather3A_21 = tpu.dynamic_gather %scan3A_7[%gather3A] in [0] : vector<16xi32>, vector<16xi32> -> vector<16xi32>
      %or3A = arith.ori %scan3A_7, %gather3A_21 : vector<16xi32>
      %iota3A_22 = tpu.iota {dimensions = array<i32: 0>} : vector<16xi32>
      %add3A_23 = arith.constant 2 : i32
      %add3A_24 = vector.broadcast %add3A_23 : i32 to vector<16xi32>
      %add3A_25 = arith.addi %iota3A_22, %add3A_24 : vector<16xi32>
      %and3A_26 = arith.constant 15 : i32
      %and3A_27 = vector.broadcast %and3A_26 : i32 to vector<16xi32>
      %and3A_28 = arith.andi %add3A_25, %and3A_27 : vector<16xi32>
      %lt3A_29 = arith.constant 0 : i32
      %lt3A_30 = vector.broadcast %lt3A_29 : i32 to vector<16xi32>
      %lt3A_31 = arith.cmpi slt, %and3A_28, %lt3A_30 : vector<16xi32>
      %add3A_32 = arith.constant 16 : i32
      %add3A_33 = vector.broadcast %add3A_32 : i32 to vector<16xi32>
      %add3A_34 = arith.addi %and3A_28, %add3A_33 : vector<16xi32>
      %select_n3A_35 = arith.select %lt3A_31, %add3A_34, %and3A_28 : vector<16xi1>, vector<16xi32>
      %broadcast_in_dim3A_36 = vector.shape_cast %select_n3A_35 : vector<16xi32> to vector<16x1xi32>
      %gather3A_37 = vector.shape_cast %broadcast_in_dim3A_36 : vector<16x1xi32> to vector<16xi32>
      %gather3A_38 = tpu.dynamic_gather %or3A[%gather3A_37] in [0] : vector<16xi32>, vector<16xi32> -> vector<16xi32>
      %or3A_39 = arith.ori %or3A, %gather3A_38 : vector<16xi32>
      %iota3A_40 = tpu.iota {dimensions = array<i32: 0>} : vector<16xi32>
      %add3A_41 = arith.constant 4 : i32
      %add3A_42 = vector.broadcast %add3A_41 : i32 to vector<16xi32>
      %add3A_43 = arith.addi %iota3A_40, %add3A_42 : vector<16xi32>
      %and3A_44 = arith.constant 15 : i32
      %and3A_45 = vector.broadcast %and3A_44 : i32 to vector<16xi32>
      %and3A_46 = arith.andi %add3A_43, %and3A_45 : vector<16xi32>
      %lt3A_47 = arith.constant 0 : i32
      %lt3A_48 = vector.broadcast %lt3A_47 : i32 to vector<16xi32>
      %lt3A_49 = arith.cmpi slt, %and3A_46, %lt3A_48 : vector<16xi32>
      %add3A_50 = arith.constant 16 : i32
      %add3A_51 = vector.broadcast %add3A_50 : i32 to vector<16xi32>
      %add3A_52 = arith.addi %and3A_46, %add3A_51 : vector<16xi32>
      %select_n3A_53 = arith.select %lt3A_49, %add3A_52, %and3A_46 : vector<16xi1>, vector<16xi32>
      %broadcast_in_dim3A_54 = vector.shape_cast %select_n3A_53 : vector<16xi32> to vector<16x1xi32>
      %gather3A_55 = vector.shape_cast %broadcast_in_dim3A_54 : vector<16x1xi32> to vector<16xi32>
      %gather3A_56 = tpu.dynamic_gather %or3A_39[%gather3A_55] in [0] : vector<16xi32>, vector<16xi32> -> vector<16xi32>
      %or3A_57 = arith.ori %or3A_39, %gather3A_56 : vector<16xi32>
      %iota3A_58 = tpu.iota {dimensions = array<i32: 0>} : vector<16xi32>
      %add3A_59 = arith.constant 8 : i32
      %add3A_60 = vector.broadcast %add3A_59 : i32 to vector<16xi32>
      %add3A_61 = arith.addi %iota3A_58, %add3A_60 : vector<16xi32>
      %and3A_62 = arith.constant 15 : i32
      %and3A_63 = vector.broadcast %and3A_62 : i32 to vector<16xi32>
      %and3A_64 = arith.andi %add3A_61, %and3A_63 : vector<16xi32>
      %lt3A_65 = arith.constant 0 : i32
      %lt3A_66 = vector.broadcast %lt3A_65 : i32 to vector<16xi32>
      %lt3A_67 = arith.cmpi slt, %and3A_64, %lt3A_66 : vector<16xi32>
      %add3A_68 = arith.constant 16 : i32
      %add3A_69 = vector.broadcast %add3A_68 : i32 to vector<16xi32>
      %add3A_70 = arith.addi %and3A_64, %add3A_69 : vector<16xi32>
      %select_n3A_71 = arith.select %lt3A_67, %add3A_70, %and3A_64 : vector<16xi1>, vector<16xi32>
      %broadcast_in_dim3A_72 = vector.shape_cast %select_n3A_71 : vector<16xi32> to vector<16x1xi32>
      %gather3A_73 = vector.shape_cast %broadcast_in_dim3A_72 : vector<16x1xi32> to vector<16xi32>
      %gather3A_74 = tpu.dynamic_gather %or3A_57[%gather3A_73] in [0] : vector<16xi32>, vector<16xi32> -> vector<16xi32>
      %or3A_75 = arith.ori %or3A_57, %gather3A_74 : vector<16xi32>
      %swap3A = arith.constant 0 : index
      %swap3A_76 = tpu.vector_load %arg5[%swap3A] {strides = array<i32>} : memref<16xi32, #tpu.memory_space<vmem>>, vector<16xi32>,
      %swap3A_77 = vector.shape_cast %swap3A_76 : vector<16xi32> to vector<16xi32>
      %swap3A_78 = vector.shape_cast %or3A_75 : vector<16xi32> to vector<16xi32>
      tpu.vector_store %arg5[%swap3A], %swap3A_78 {strides = array<i32>} : memref<16xi32, #tpu.memory_space<vmem>>, vector<16xi32>,
      "tpu.region"() ({
        %run_scoped3A = tpu.sem_alloc : memref<!tpu.dma_semaphore, #tpu.memory_space<semaphore_mem>>
        %dma_start3A = arith.constant 0 : i32
        %dma_start3A_79 = tpu.memref_slice %arg3[%add3A, %dma_start3A] : memref<4x16xi32, #tpu.memory_space<hbm>> -> memref<1x16xi32, #tpu.memory_space<hbm>>
        %dma_start3A_80 = tpu.memref_squeeze %dma_start3A_79 : memref<1x16xi32, #tpu.memory_space<hbm>> -> memref<16xi32, #tpu.memory_space<hbm>>
        %dma_start3A_81 = arith.constant 0 : i32
        %dma_start3A_82 = tpu.memref_slice %arg3[%add3A, %dma_start3A_81] : memref<4x16xi32, #tpu.memory_space<hbm>> -> memref<1x16xi32, #tpu.memory_space<hbm>>
        %dma_start3A_83 = tpu.memref_squeeze %dma_start3A_82 : memref<1x16xi32, #tpu.memory_space<hbm>> -> memref<16xi32, #tpu.memory_space<hbm>>
        tpu.enqueue_dma source(%arg5 : memref<16xi32, #tpu.memory_space<vmem>>) target(%dma_start3A_83 : memref<16xi32, #tpu.memory_space<hbm>>) target_semaphore(%run_scoped3A : memref<!tpu.dma_semaphore, #tpu.memory_space<semaphore_mem>>)
        %dma_wait3A = arith.constant 0 : i32
        %dma_wait3A_84 = tpu.memref_slice %arg3[%add3A, %dma_wait3A] : memref<4x16xi32, #tpu.memory_space<hbm>> -> memref<1x16xi32, #tpu.memory_space<hbm>>
        %dma_wait3A_85 = tpu.memref_squeeze %dma_wait3A_84 : memref<1x16xi32, #tpu.memory_space<hbm>> -> memref<16xi32, #tpu.memory_space<hbm>>
        %dma_wait3A_86 = arith.constant 0 : i32
        %dma_wait3A_87 = tpu.memref_slice %arg3[%add3A, %dma_wait3A_86] : memref<4x16xi32, #tpu.memory_space<hbm>> -> memref<1x16xi32, #tpu.memory_space<hbm>>
        %dma_wait3A_88 = tpu.memref_squeeze %dma_wait3A_87 : memref<1x16xi32, #tpu.memory_space<hbm>> -> memref<16xi32, #tpu.memory_space<hbm>>
        tpu.wait_dma2 semaphore(%run_scoped3A : memref<!tpu.dma_semaphore, #tpu.memory_space<semaphore_mem>>) src(%arg5 : memref<16xi32, #tpu.memory_space<vmem>>) dst(%dma_wait3A_88 : memref<16xi32, #tpu.memory_space<hbm>>)
        tpu.yield
      }) : () -> ()
    } else {
    }
    return
  }
}

module attributes {stable_mosaic.version = 14 : i64} {
  func.func @_copy_block(%arg0: i32, %arg1: memref<1024x2048xf32, #tpu.memory_space<vmem>>, %arg2: memref<1024x2048xf32, #tpu.memory_space<vmem>>) attributes {dimension_semantics = [#tpu.dimension_semantics<arbitrary>], iteration_bounds = array<i64: 16>, scalar_prefetch = 0 : i64, scratch_operands = 0 : i64, tpu.core_type = #tpu.core_type<tc>, window_params = [{transform_indices = @transform_0, window_bounds = array<i64: 1024, 2048>}, {transform_indices = @transform_1, window_bounds = array<i64: 1024, 2048>}]} {
    %get3A = arith.constant 0 : index
    %get3A_0 = arith.constant 0 : index
    %get3A_1 = vector.load %arg1[%get3A, %get3A_0] : memref<1024x2048xf32, #tpu.memory_space<vmem>>, vector<1024x2048xf32>
    %swap3A = arith.constant 0 : index
    %swap3A_2 = arith.constant 0 : index
    %swap3A_3 = vector.load %arg2[%swap3A, %swap3A_2] : memref<1024x2048xf32, #tpu.memory_space<vmem>>, vector<1024x2048xf32>
    tpu.vector_store %arg2[%swap3A, %swap3A_2], %get3A_1 {strides = array<i32>} : memref<1024x2048xf32, #tpu.memory_space<vmem>>, vector<1024x2048xf32>,
    return
  }
  func.func @transform_0(%arg0: i32) -> (i32, i32) {
    %c0_i32 = arith.constant 0 : i32
    %c0_i32_0 = arith.constant 0 : i32
    return %arg0, %c0_i32 : i32, i32
  }
  func.func @transform_1(%arg0: i32) -> (i32, i32) {
    %c0_i32 = arith.constant 0 : i32
    %c0_i32_0 = arith.constant 0 : i32
    return %arg0, %c0_i32 : i32, i32
  }
}

</mosaic_0001>

<sc_bundles>
// kernel: kernel.4.cloned.1.call-start
scs
__scs_entry_jumppad:
0x0: {  	(pc) =	sbr.rel $0x88, $3  }
0x1: {  	(tag) =	ssettag $0x0;
	lr =	simm.s32 $0x1  }
0x2: {  	[smem:$0x3F9F] =	sst lr;
	_ =	strace $0xD0000000  }
0x3: {  	_ = 	snop  }
0x4: {  	_ = 	snop  }
0x5: {  	_ = 	snop  }
0x6: {  	_ = 	snop  }
0x7: {  	_ = 	snop  }
__scs_overlays_trampoline_lowered:
0x8: {  	[smem:$0x3FAE] =	sst s0  }
0x9: {  	[smem:$0x3FAF] =	sst s1  }
0xa: {  	[smem:$0x3FB0] =	sst s2  }
0xb: {  	[smem:$0x3FB1] =	sst s3  }
0xc: {  	[smem:$0x3FB2] =	sst s4  }
0xd: {  	[smem:$0x3FB3] =	sst s5  }
0xe: {  	[smem:$0x3FB4] =	sst s6  }
0xf: {  	[smem:$0x3FB5] =	sst s7  }
0x10: {  	[smem:$0x3FB6] =	sst s8  }
0x11: {  	[smem:$0x3FB7] =	sst s9;
	s0 =	simm.s32 @!p0 $0x0  }
0x12: {  	s1 =	sld [smem:$0x3F9D];
	s0 =	simm.s32 @p0 $0x1  }
0x13: {  	[smem:$0x3FB8] =	sst s0;
	s0 =	simm.s32 @!p1 $0x0  }
0x14: {  	s2 =	sld [smem:$0x3F9C];
	s0 =	simm.s32 @p1 $0x1  }
0x15: {  	[smem:$0x3FB9] =	sst s0;
	s0 =	simm.s32 @!p2 $0x0  }
0x16: {  	s3 =	sld [smem:$0x3FDB];
	s0 =	simm.s32 @p2 $0x1  }
0x17: {  	s4 =	simm.s32 $0x1BF5;
	[smem:$0x3FBB] =	sst s0  }
0x18: {  	s0 =	sld [smem:$0x3F9E];
	_ =	swait.ge [sflag:s4], $0x0  }
0x19: {  	s7 =	sld [smem:$0x3F9F]  }
0x1a: {  	s8 =	sadd.s32 $0xFFFFE003, lr  }
0x1b: {  	s9 =	sadd.s32 $0xFFFFFEF7, lr;
	s5 =	simm.s32 $0xFFFFFFFF;
	p2 =	slt.u32 s8, $0xFFFFF086  }
0x1c: {  	p1 =	slt.u32 s9, $0xF7A;
	s5 =	simm.s32 @!p2 $0x0  }
0x1d: {  	s5 =	simm.s32 @p1 $0x1;
	p0 =	seq.s32 s7, s2  }
0x1e: {  	s7 =	smul.u32 @!p0 $0xF7A, s2;
	p2 =	seq.s32 @!p0 s5, $0x0  }
0x1f: {  	s9 =	smul.u32 $0xF7A, s1;
	s8 =	simm.s32 @!p0 $0x1BF5;
	p2 =	por !p2, p0  }
0x20: {  	[sflag:s8] =	ssyncset.s32 @!p0 $0xFFFFF086;
	s6 =	sadd.s32 @!p0 s3, s7;
	s7 =	simm.s32 @!p0 $0x108  }
0x21: {  	s3 =	sadd.s32 s3, s9;
	s6 =	sadd.s32 @!p0 $0x88, s6;
	s7 =	simm.s32 @p2 $0x1082  }
0x22: {  	[simem:s7], [sflag:s8] =	dma.local @!p0 [hbm:s6], $0xF7A  }
0x23: {  	s9 =	sor.u32 $0xD0000000, s2;
	s6 =	simm.s32 $0x108;
	_ =	swait.ge @!p0 [sflag:s8], $0x0  }
0x24: {  	s3 =	sadd.s32 $0x88, s3;
	s6 =	simm.s32 @!p1 $0x1082;
	[sflag:s4] =	ssyncset.s32 $0xFFFFF086  }
0x25: {  	[simem:s6], [sflag:s4] =	dma.local [hbm:s3], $0xF7A  }
0x26: {  	[smem:$0x3F9F] =	sst s1;
	(tag) =	ssettag s2;
	_ =	strace s9  }
0x27: {  	s1 =	sld [smem:$0x3FAF]  }
0x28: {  	s2 =	sld [smem:$0x3FB0]  }
0x29: {  	s4 =	sld [smem:$0x3FB2]  }
0x2a: {  	p0 =	seq.s32 s5, $0x0;
	s5 =	sld [smem:$0x3FB3]  }
0x2b: {  	s6 =	sld [smem:$0x3FB4]  }
0x2c: {  	s7 =	sld [smem:$0x3FB5]  }
0x2d: {  	s3 =	simm.s32 $0x108;
	s8 =	sld [smem:$0x3FB6]  }
0x2e: {  	s3 =	simm.s32 @!p0 $0x1082;
	s9 =	sld [smem:$0x3FB7]  }
0x2f: {  	lr =	sadd.s32 s0, s3;
	s0 =	sld [smem:$0x3FAE]  }
0x30: {  	s3 =	sld [smem:$0x3FB1]  }
0x31: {  	[smem:$0x3FBA] =	sst s10  }
0x32: {  	s10 =	sld [smem:$0x3FB8];
	_ =	sdelay $0x3  }
0x33: {  	p0 =	seq.s32 s10, $0x1;
	s10 =	sld [smem:$0x3FBA];
	_ =	sdelay $0x3  }
0x34: {  	[smem:$0x3FBA] =	sst s10  }
0x35: {  	s10 =	sld [smem:$0x3FB9];
	_ =	sdelay $0x3  }
0x36: {  	p1 =	seq.s32 s10, $0x1;
	s10 =	sld [smem:$0x3FBA];
	_ =	sdelay $0x3  }
0x37: {  	[smem:$0x3FBA] =	sst s10  }
0x38: {  	s10 =	sld [smem:$0x3FBB]  }
0x39: {  	_ = 	snop;
	(pc) =	sbr.ind lr, $3  }
0x3a: {  	_ = 	snop  }
0x3b: {  	_ = 	snop  }
0x3c: {  	p2 =	seq.s32 s10, $0x1;
	s10 =	sld [smem:$0x3FBA]  }
0x3d: {  	_ =	shalt  }
0x3e: {  	_ =	shalt  }
0x3f: {  	_ =	shalt  }
0x40: {  	_ =	shalt  }
0x41: {  	_ =	shalt  }
0x42: {  	_ =	shalt  }
0x43: {  	_ =	shalt  }
0x44: {  	_ =	shalt  }
0x45: {  	_ =	shalt  }
0x46: {  	_ =	shalt  }
0x47: {  	_ =	shalt  }
0x48: {  	_ =	shalt  }
0x49: {  	_ =	shalt  }
0x4a: {  	_ =	shalt  }
0x4b: {  	_ =	shalt  }
0x4c: {  	_ =	shalt  }
0x4d: {  	_ =	shalt  }
0x4e: {  	_ =	shalt  }
0x4f: {  	_ =	shalt  }
0x50: {  	_ =	shalt  }
0x51: {  	_ =	shalt  }
0x52: {  	_ =	shalt  }
0x53: {  	_ =	shalt  }
0x54: {  	_ =	shalt  }
0x55: {  	_ =	shalt  }
0x56: {  	_ =	shalt  }
0x57: {  	_ =	shalt  }
0x58: {  	_ =	shalt  }
0x59: {  	_ =	shalt  }
0x5a: {  	_ =	shalt  }
0x5b: {  	_ =	shalt  }
0x5c: {  	_ =	shalt  }
0x5d: {  	_ =	shalt  }
0x5e: {  	_ =	shalt  }
0x5f: {  	_ =	shalt  }
0x60: {  	_ =	shalt  }
0x61: {  	_ =	shalt  }
0x62: {  	_ =	shalt  }
0x63: {  	_ =	shalt  }
0x64: {  	_ =	shalt  }
0x65: {  	_ =	shalt  }
0x66: {  	_ =	shalt  }
0x67: {  	_ =	shalt  }
0x68: {  	_ =	shalt  }
0x69: {  	_ =	shalt  }
0x6a: {  	_ =	shalt  }
0x6b: {  	_ =	shalt  }
0x6c: {  	_ =	shalt  }
0x6d: {  	_ =	shalt  }
0x6e: {  	_ =	shalt  }
0x6f: {  	_ =	shalt  }
0x70: {  	_ =	shalt  }
0x71: {  	_ =	shalt  }
0x72: {  	_ =	shalt  }
0x73: {  	_ =	shalt  }
0x74: {  	_ =	shalt  }
0x75: {  	_ =	shalt  }
0x76: {  	_ =	shalt  }
0x77: {  	_ =	shalt  }
0x78: {  	_ =	shalt  }
0x79: {  	_ =	shalt  }
0x7a: {  	_ =	shalt  }
0x7b: {  	_ =	shalt  }
0x7c: {  	_ =	shalt  }
0x7d: {  	_ =	shalt  }
0x7e: {  	_ =	shalt  }
0x7f: {  	_ =	shalt  }
0x80: {  	_ =	shalt  }
0x81: {  	_ =	shalt  }
0x82: {  	_ =	shalt  }
0x83: {  	_ =	shalt  }
0x84: {  	_ =	shalt  }
0x85: {  	_ =	shalt  }
0x86: {  	_ =	shalt  }
0x87: {  	_ =	shalt  }
.Lfunc_end0:
.L_simem_size_0:
called_computation_lowered:
.L_overlay_start_0:
0x88: {  	s0 =	sld [smem:$0x3FD9]  }
0x89: {  	s1 =	sld [smem:$0x3FFE];
	_ =	sdelay $0x3  }
0x8a: {  	s0 =	sadd.s32 s1, s0  }
0x8b: {  	[smem:$0x3FC6] =	sst s0  }
0x8c: {  	_ = 	snop  }
0x8d: {  	s0 =	sld [smem:$0x3FC9];
	(tm) =	ssettm $0x1  }
0x8e: {  	s16 =	sld [smem:$0x3FFB];
	_ =	sdelay $0x3  }
0x8f: {  	_ =	strace s16  }
0x90: {  	s1 =	sld [smem:$0x3FFC];
	_ =	sdelay $0x3  }
0x91: {  	_ =	strace s1  }
0x92: {  	s1 =	sld [smem:$0x3FFD];
	_ =	sdelay $0x3  }
0x93: {  	_ =	strace s1  }
0x94: {  	_ =	strace $0x8FFFFFFF  }
0x95: {  	s17 =	sld [smem:$0x3FDB];
	_ =	sdelay $0x1  }
0x96: {  	s2 =	simm.s32 $_scs_section_size  }
0x97: {  	s3 =	simm.s32 $_size__tile_overlayer_lowered;
	s4 =	simm.s32 $_tile_overlayer_lowered  }
0x98: {  	s20 =	simm.s32 $0x1BFF;
	s19 =	sshll.u32 s4, $0x1;
	s1 =	sadd.s32 s2, s17  }
0x99: {  	s5 =	simm.s32 $0x0;
	s18 =	sshll.u32 s3, $0x1;
	s3 =	sadd.s32 s19, s1  }
0x9a: {  	[timem:s5], [sflag:s20] =	dma.local [hbm:s3], s18  }
0x9b: {  	_ =	swait.ge [sflag:s20], s18  }
0x9c: {  	s2 =	ssub.s32 $0x0, s18;
	[sflag:s20] =	ssyncset.done $0x0  }
0x9d: {  	[sflag:s20] =	ssyncadd.s32 s2;
	_ =	sdelay $0x1  }
0x9e: {  	s21 =	simm.s32 $0x1B8B  }
0x9f: {  	_ =	swait.ge [sflag:s21], $0x1  }
0xa0: {  	[sflag:s21] =	ssyncset.done $0x0  }
0xa1: {  	s23 =	simm.s32 $0x1B8E;
	s22 =	sld [smem:$0x3FFE];
	[sflag:s21] =	ssyncadd.s32 $0xFFFFFFFF  }
0xa2: {  	s24 =	simm.s32 $execute0_lowered;
	[smem:$0x3FD2] =	sst s23  }
0xa3: {  	s3 =	sshll.u32 s24, $0x1;
	_ =	strace $0x80000046;
	[dreg:$0x1] =	wrdreg $0xFFFFFFFF  }
0xa4: {  	s25 =	simm.s32 $_size_execute0_lowered;
	s1 =	sadd.s32 s1, s3;
	[dreg:$0x0] =	wrdreg $0x0  }
0xa5: {  	s3 =	sshll.u32 s25, $0x1;
	[dreg:$0x2] =	wrdreg s1  }
0xa6: {  	[dreg:$0x3] =	wrdreg s3  }
0xa7: {  	[dreg:$0x4] =	wrdreg $0xC0  }
0xa8: {  	_ =	task [dreg:s5], $0x5FFFF  }
0xa9: {  	[dreg:$0x1] =	wrdreg $0xFFFFFFFF  }
0xaa: {  	[dreg:$0x0] =	wrdreg $0x60  }
0xab: {  	[dreg:$0x2] =	wrdreg s0  }
0xac: {  	[dreg:$0x3] =	wrdreg s22  }
0xad: {  	[dreg:$0x4] =	wrdreg $0x9  }
0xae: {  	_ =	task.clear_ibuf [dreg:s5], $0x5FFFF;
	_ =	strace $0x90000046  }
0xaf: {  	s26 =	simm.s32 $0x9;
	_ =	strace $0x80000048  }
0xb0: {  	_ =	swait.ge [sflag:s26], $0x1  }
0xb1: {  	[sflag:s26] =	ssyncadd.s32 $0xFFFFFFFF  }
0xb2: {  	_ =	strace $0x90000048  }
0xb3: {  	_ =	sfence  }
0xb4: {  	s28 =	sld [smem:$0x0];
	_ =	sdelay $0x1  }
0xb5: {  	s29 =	srdreg.scid  }
0xb6: {  	s30 =	sshll.u32 s29, $0xD;
	s31 =	sshrl.u32 s29, $0x2  }
0xb7: {  	s2 =	sand.u32 $0x4000, s30;
	s1 =	sand.u32 $0x1, s29;
	s0 =	sadd.s32 s31, s28  }
0xb8: {  	s1 =	sor.u32 s2, s1;
	s0 =	sshll.u32 s0, $0x11  }
0xb9: {  	s0 =	sor.u32 s0, s1  }
0xba: {  	s0 =	sadd.s32 $0x8F2B, s0  }
0xbb: {  	[sflag:s0] =	ssyncadd.remote.s32 $0x1  }
0xbc: {  	_ =	sfence.sel $0xFFFF  }
0xbd: {  	[dreg:$0x0] =	wrdreg $0xFFFFFFFF;
	(pc) =	sbr.abs _section_cstart, $3  }
0xbe: {  	[dreg:$0x1] =	wrdreg $0xFFFFFFFF  }
0xbf: {  	_ =	task.clear_ibuf [dreg:s5], $0x2FFFF;
	_ =	strace $0x9FFFFFFF  }
0xc0: {  	(tm) =	ssettm $0x7FFFFFFF  }
0xc1: {  	_ =	shalt  }
tec
execute0_lowered:
.L_overlay_start_1:
0x0: {  	(tag) =	ssettag $0x1  }
0x1: {  	s1 =	stileid.u32  }
0x2: {  	p0 =	sgt.u32 s1, $0x3  }
.Ltmp0:
0x3: {  	_ = 	snop;
	(pc) =	sbr.rel @p0 .LBB2_4-.Ltmp0, $4  }
0x4: {  	s3 =	rddreg [dreg:$0x0]  }
0x5: {  	s2 =	rddreg [dreg:$0x1];
	s4 =	simm.s32 $0x0  }
0x6: {  	[smem:$0x7FF] =	sst s4  }
0x7: {  	s0 =	rddreg [dreg:$0x2];
	_ =	strace $0x80000047  }
0x8: {  	s5 =	sshll.u32 s1, $0x4;
	s6 =	simm.s32 $0x80  }
0x9: {  	s7 =	simm.s32 $0x200;
	s29 =	simm.s32 $0x1;
	s3 =	sadd.s32 s3, s5  }
0xa: {  	[tilespmem:s4], [sflag:$0x1] =	stream.strided.gather [hbm4b:s3+s6], $0x1000, s7, s6, $0x38;
	[tilespmem:$0x1080] =	vst v63  }
0xb: {  	_ =	swait.ge [sflag:s29], $0x1000  }
0xc: {  	[sflag:s29] =	ssyncset.done $0x0  }
0xd: {  	s30 =	simm.s32 $0x0;
	[sflag:s29] =	ssyncadd.s32 $0xFFFFF000  }
0xe: {  	v0 =	vld [tilespmem:s30+$0x0]  }
0xf: {  	v1 =	vld [tilespmem:s30+$0x10]  }
0x10: {  	v3 =	vld [tilespmem:s30+$0x20]  }
0x11: {  	v4 =	vld [tilespmem:s30+$0x30];
	_ =	sdelay $0x1  }
0x12: {  	s31 =	simm.s32 $0x40  }
0x13: {  	v2 =	vld [tilespmem:s31+$0x0];
	vm0 =	veq.s32 v0, $0x3E8;
	vm1 =	veq.s32 v1, $0x3E8  }
0x14: {  	vm14 =	veq.s32 v3, $0x3E8;
	v3 =	vld [tilespmem:s31+$0x10];
	vm0 =	vmor vm0, vm1  }
0x15: {  	vm15 =	veq.s32 v4, $0x3E8;
	v4 =	vld [tilespmem:s31+$0x20];
	vm0 =	vmor vm0, vm14  }
0x16: {  	v5 =	vld [tilespmem:s31+$0x30];
	v0 =	vimm.s32 $0x0;
	vm0 =	vmor vm0, vm15  }
0x17: {  	s2 =	sadd.s32 s2, s5;
	s3 =	simm.s32 $0x200;
	v1 =	vimm.s32 $0x0;
	v6 =	vsel vm0, $0x1, v0  }
.LBB2_2:
0x18: {  	s4 =	sshra.s32 s3, $0x2;
	v1 =	vor.u32 v6, v1;
	p0 =	sne.s32 s3, $0x3F00  }
.Ltmp1:
0x19: {  	s3 =	sadd.s32 $0x100, s3;
	vm0 =	veq.s32 v2, $0x3E8;
	v2 =	vld [tilespmem:s4+$0x0];
	vm1 =	veq.s32 v3, $0x3E8;
	(pc) =	sbr.rel @p0 .LBB2_2-.Ltmp1, $4  }
0x1a: {  	v3 =	vld [tilespmem:s4+$0x10];
	vm0 =	vmor vm0, vm1;
	vm1 =	veq.s32 v4, $0x3E8  }
0x1b: {  	v4 =	vld [tilespmem:s4+$0x20];
	vm0 =	vmor vm0, vm1;
	vm1 =	veq.s32 v5, $0x3E8  }
0x1c: {  	v5 =	vld [tilespmem:s4+$0x30];
	vm0 =	vmor vm0, vm1  }
0x1d: {  	v6 =	vsel vm0, $0x1, v0  }
0x1e: {  	vm0 =	veq.s32 v2, $0x3E8;
	v50 =	vimm.s32 $0xFEDCBA9  }
0x1f: {  	v51 =	vimm.s32 $0x87654321;
	v1 =	vor.u32 v6, v1;
	v52 =	vimm.s32 $0x10FEDCBA  }
0x20: {  	v54 =	vimm.s32 $0x98765432;
	vm1 =	veq.s32 v3, $0x3E8;
	v2 =	vunpack.c.l.s4.s8 v50  }
0x21: {  	v3 =	vunpack.c.l.s4.s8 v51;
	vm0 =	vmor vm0, vm1;
	vm14 =	veq.s32 v4, $0x3E8  }
0x22: {  	v56 =	vimm.s32 $0x3210FEDC;
	v57 =	vimm.s32 $0xBA987654;
	vm0 =	vmor vm0, vm14  }
0x23: {  	vm15 =	veq.s32 v5, $0x3E8;
	v2 =	vunpack.c.0.s8.s32 v2;
	v3 =	vunpack.c.0.s8.s32 v3  }
0x24: {  	v53 =	vunpack.c.l.s4.s8 v52;
	v55 =	vunpack.c.l.s4.s8 v54;
	vm0 =	vmor vm0, vm15  }
0x25: {  	v4 =	vunpack.c.l.s4.s8 v56;
	v0 =	vsel vm0, $0x1, v0;
	v2 =	vcombine.low v3, v2  }
0x26: {  	v3 =	vunpack.c.0.s8.s32 v53;
	v0 =	vor.u32 v0, v1;
	v1 =	vunpack.c.0.s8.s32 v55  }
0x27: {  	v60 =	vimm.s32 $0xFEDCBA98;
	v58 =	vunpack.c.l.s4.s8 v57;
	v2 =	vperm.xlane v0, v2  }
0x28: {  	v61 =	vimm.s32 $0x76543210;
	v59 =	vunpack.c.0.s8.s32 v4;
	v1 =	vcombine.low v1, v3  }
0x29: {  	v4 =	vunpack.c.l.s4.s8 v60;
	v0 =	vor.u32 v0, v2;
	v2 =	vunpack.c.0.s8.s32 v58  }
0x2a: {  	v5 =	vunpack.c.l.s4.s8 v61;
	v1 =	vperm.xlane v0, v1  }
0x2b: {  	v62 =	vunpack.c.0.s8.s32 v4;
	v2 =	vcombine.low v2, v59  }
0x2c: {  	v63 =	vunpack.c.0.s8.s32 v5;
	v0 =	vor.u32 v1, v0  }
0x2d: {  	v3 =	vand.u32 $0xF, v62;
	v2 =	vperm.xlane v0, v2  }
0x2e: {  	v1 =	vcombine.low v3, v63  }
0x2f: {  	v0 =	vor.u32 v2, v0  }
0x30: {  	v1 =	vperm.xlane v0, v1;
	_ =	sdelay $0x1  }
0x31: {  	v0 =	vor.u32 v1, v0  }
0x32: {  	s3 =	simm.s32 $0x0;
	s4 =	simm.s32 $0x1000;
	s31 =	simm.s32 $0x1;
	[tilespmem:$0x1000] =	vst v0  }
0x33: {  	[hbm4b:s2+s3] =	stream.linear.scatter [tilespmem:s4], [sflag:$0x1], $0x80, $0x38;
	[tilespmem:$0x1080] =	vst v63  }
0x34: {  	_ =	swait.ge [sflag:s31], $0x80  }
0x35: {  	[sflag:s31] =	ssyncset.done $0x0  }
0x36: {  	[sflag:s31] =	ssyncadd.s32 $0xFFFFFF80  }
.LBB2_4:
0x37: {  	_ =	sfence.sel $0x180000  }
0x38: {  	[bflag:$0x0] =	sbarrier.arrive $0xFFFF  }
0x39: {  	p0 =	sne.s32 s1, $0x0;
	_ =	strace $0x90000047  }
0x3a: {  	s0 =	sadd.s32 @!p0 $0x100000, s0;
	[bflag:$0x2] =	sbarrier.arrive $0xFFFF  }
0x3b: {  	[sflag:s0] =	ssyncadd.tile.s32 @!p0 $0x1;
	_ =	shalt  }
.Lfunc_end2:
_tile_overlayer_lowered:
.L_overlay_start_2:
0x3c: {  	(tag) =	ssettag $0x2  }
0x3d: {  	s0 =	rddreg [dreg:$0x0];
	s2 =	stileid.u32  }
0x3e: {  	s1 =	rddreg [dreg:$0x1];
	p0 =	sne.s32 s2, $0x0  }
0x3f: {  	s3 =	rddreg [dreg:$0x2];
	[bflag:$0x3] =	sbarrier.arrive $0xFFFF;
	s2 =	simm.s32 @!p0 $0x1C01  }
0x40: {  	[timem:s3], [sflag:s2] =	dma.local @!p0 [hbm:s0], s1  }
0x41: {  	s0 =	simm.s32 @!p0 $0x1  }
0x42: {  	_ =	swait.ge @!p0 [sflag:s0], s1  }
0x43: {  	s1 =	ssub.s32 @!p0 $0x0, s1;
	[sflag:s0] =	ssyncset.done @!p0 $0x0  }
0x44: {  	[sflag:s0] =	ssyncadd.s32 @!p0 s1  }
0x45: {  	[bflag:$0x3] =	sbarrier.arrive $0xFFFF  }
0x46: {  	_ =	shalt  }

</sc_bundles>
